<compile_context>
chip_gen: v7x
topology: tpu7x:2x2x1
jax: 0.10.2.dev20260603
libtpu: 0.0.44.dev20260713+nightly
codegen_flags: <defaults>
</compile_context>

<pallas_src>
import functools

import jax
import jax.numpy as jnp
from jax import lax
from jax.experimental import pallas as pl
from jax.experimental.pallas import tpu as pltpu
from jax.experimental.pallas import tpu_sc as plsc

NUM_EMB = 1000000
D = 64
B, L = 16384, 50
N = B * L

NC, NS = 2, 16
NW = NC * NS
PER_W = N // NW
CHUNK = 128
GROUP = 4
ROWS = CHUNK * GROUP
ROUNDS = PER_W // ROWS
N_CHUNKS = PER_W // CHUNK


def _sc_gather(idx, table):
    mesh = plsc.VectorSubcoreMesh(core_axis_name="c", subcore_axis_name="s")

    @functools.partial(
        pl.kernel,
        mesh=mesh,
        out_type=jax.ShapeDtypeStruct((N, 2 * D), jnp.float32),
        compiler_params=pltpu.CompilerParams(use_tc_tiling_on_sc=False),
        scratch_types=[
            pltpu.VMEM((N_CHUNKS, CHUNK), jnp.int32),
            pltpu.VMEM((2, ROWS, D), jnp.float32),
            pltpu.SemaphoreType.DMA,
            pltpu.SemaphoreType.DMA,
        ],
    )
    def k(idx_hbm, table_hbm, out_hbm, idx_v, rows_v, sem, wsem):
        wid = lax.axis_index("s") * NC + lax.axis_index("c")
        base = wid * PER_W
        pltpu.sync_copy(idx_hbm.at[wid], idx_v)

        def drain_one_write():
            pltpu.make_async_copy(
                out_hbm.at[pl.ds(0, ROWS), pl.ds(0, D)],
                rows_v.at[0],
                wsem,
            ).wait()

        def round_body(r, carry):
            buf = rows_v.at[r % 2]
            @pl.when(r >= 2)
            def _():
                drain_one_write()

            handles = []
            for g in range(GROUP):
                h = pltpu.async_copy(
                    table_hbm.at[idx_v.at[r * GROUP + g]],
                    buf.at[pl.ds(g * CHUNK, CHUNK)],
                    sem,
                )
                handles.append(h)
            for h in handles:
                h.wait()
            pltpu.async_copy(
                buf,
                out_hbm.at[pl.ds(base + r * ROWS, ROWS), pl.ds(0, D)],
                wsem,
            )
            return carry

        lax.fori_loop(0, ROUNDS, round_body, 0)
        drain_one_write()
        drain_one_write()

    return k(idx, table)


BN = 16384


def _mm_body(x_ref, w_ref, o_ref):
    x = x_ref[:, 0:D]
    y = lax.dot_general(
        w_ref[...], x,
        (((1,), (1,)), ((), ())),
        preferred_element_type=jnp.float32,
    )
    o_ref[...] = y.reshape(1, D, BN)


def _tc_project(gathered_t, w):
    return pl.pallas_call(
        _mm_body,
        grid=(L, B // BN),
        in_specs=[
            pl.BlockSpec((BN, 2 * D), lambda l, i: (l * (B // BN) + i, 0)),
            pl.BlockSpec((D, D), lambda l, i: (0, 0)),
        ],
        out_specs=pl.BlockSpec((1, D, BN), lambda l, i: (l, 0, i)),
        out_shape=jax.ShapeDtypeStruct((L, D, B), jnp.float32),
    )(gathered_t, w)


def kernel(input_ids, embedding_matrix_1, embedding_matrix_2):
    idx = input_ids.T.reshape(NW, N_CHUNKS, CHUNK).astype(jnp.int32)
    gathered_t = _sc_gather(idx, embedding_matrix_1)
    out3 = _tc_project(gathered_t, embedding_matrix_2)
    return out3.transpose(2, 0, 1)

# --- scband reference (transcript-rebuilt; emitter-appended) ---
"""Pipeline reference for scband-factorized-embedding-7421703488172 (READ-ONLY COPY).

The authoritative reference and input builder live on the scoring server;
editing this copy changes nothing except your own understanding.
"""

import jax, jax.numpy as jnp
import numpy as np

NUM_EMBEDDINGS = 1000000
EMBEDDING_DIM = 64
HIDDEN_DIM = 64

def setup_inputs(seed: int = 0) -> dict:
    key = jax.random.key(seed)
    k1, k2, k3 = jax.random.split(key, 3)
    input_ids = jax.random.randint(k1, (16384, 50), 0, NUM_EMBEDDINGS, dtype=jnp.int64 if jax.config.jax_enable_x64 else jnp.int32)
    embedding_matrix_1 = jax.random.normal(k2, (NUM_EMBEDDINGS, HIDDEN_DIM), dtype=jnp.float32)
    embedding_matrix_2 = jax.random.normal(k3, (HIDDEN_DIM, EMBEDDING_DIM), dtype=jnp.float32)
    return {"input_ids": input_ids, "embedding_matrix_1": embedding_matrix_1, "embedding_matrix_2": embedding_matrix_2}

def reference(input_ids, embedding_matrix_1, embedding_matrix_2):
    # gather rows from factorized table, then project via matmul with E2^T
    gathered = jnp.take(embedding_matrix_1, input_ids, axis=0)  # [B, L, hidden_dim]
    out = jnp.matmul(gathered, embedding_matrix_2.T)  # [B, L, hidden_dim] @ [embedding_dim, hidden_dim] (hidden_dim == embedding_dim)
    return out

if __name__ == "__main__":
    import jax
    _d = setup_inputs()
    print(jax.jit(kernel)(*tuple(_d.values())))

</pallas_src>

<mosaic_0001>
#map = affine_map<(d0, d1) -> (0, 0, 0)>
#map1 = affine_map<(d0, d1) -> (0, 0)>
module attributes {stable_mosaic.version = 14 : i64} {
  func.func @k(%arg0: i32, %arg1: i32, %arg2: memref<32x200x128xi32, #tpu.memory_space<hbm>>, %arg3: memref<1000000x64xf32, #tpu.memory_space<hbm>>, %arg4: memref<819200x128xf32, #tpu.memory_space<hbm>>, %arg5: memref<200x128xi32, #tpu.memory_space<vmem>>, %arg6: memref<2x512x64xf32, #tpu.memory_space<vmem>>, %arg7: memref<!tpu.dma_semaphore, #tpu.memory_space<semaphore_mem>>, %arg8: memref<!tpu.dma_semaphore, #tpu.memory_space<semaphore_mem>>) attributes {dimension_semantics = [#tpu.dimension_semantics<core_parallel>, #tpu.dimension_semantics<subcore_parallel>], iteration_bounds = array<i64: 2, 16>, scalar_prefetch = 0 : i64, scratch_operands = 4 : i64, tpu.core_type = #tpu.core_type<sc_vector_subcore>, window_params = [{transform_indices = #map}, {transform_indices = #map1}, {transform_indices = #map1}]} {
    %mul3A = arith.constant 2 : i32
    %mul3A_0 = arith.muli %arg1, %mul3A : i32
    %add3A = arith.addi %mul3A_0, %arg0 : i32
    %mul3A_1 = arith.constant 25600 : i32
    %mul3A_2 = arith.muli %add3A, %mul3A_1 : i32
    "tpu.region"() ({
      %run_scoped3A = tpu.sem_alloc : memref<!tpu.dma_semaphore, #tpu.memory_space<semaphore_mem>>
      %dma_start3A = arith.constant 0 : i32
      %dma_start3A_37 = arith.constant 0 : i32
      %dma_start3A_38 = tpu.memref_slice %arg2[%add3A, %dma_start3A, %dma_start3A_37] : memref<32x200x128xi32, #tpu.memory_space<hbm>> -> memref<1x200x128xi32, #tpu.memory_space<hbm>>
      %dma_start3A_39 = tpu.memref_squeeze %dma_start3A_38 : memref<1x200x128xi32, #tpu.memory_space<hbm>> -> memref<200x128xi32, #tpu.memory_space<hbm>>
      %dma_start3A_40 = arith.constant 0 : i32
      %dma_start3A_41 = arith.constant 0 : i32
      %dma_start3A_42 = tpu.memref_slice %arg2[%add3A, %dma_start3A_40, %dma_start3A_41] : memref<32x200x128xi32, #tpu.memory_space<hbm>> -> memref<1x200x128xi32, #tpu.memory_space<hbm>>
      %dma_start3A_43 = tpu.memref_squeeze %dma_start3A_42 : memref<1x200x128xi32, #tpu.memory_space<hbm>> -> memref<200x128xi32, #tpu.memory_space<hbm>>
      tpu.enqueue_dma source(%dma_start3A_43 : memref<200x128xi32, #tpu.memory_space<hbm>>) target(%arg5 : memref<200x128xi32, #tpu.memory_space<vmem>>) target_semaphore(%run_scoped3A : memref<!tpu.dma_semaphore, #tpu.memory_space<semaphore_mem>>)
      %dma_wait3A_44 = arith.constant 0 : i32
      %dma_wait3A_45 = arith.constant 0 : i32
      %dma_wait3A_46 = tpu.memref_slice %arg2[%add3A, %dma_wait3A_44, %dma_wait3A_45] : memref<32x200x128xi32, #tpu.memory_space<hbm>> -> memref<1x200x128xi32, #tpu.memory_space<hbm>>
      %dma_wait3A_47 = tpu.memref_squeeze %dma_wait3A_46 : memref<1x200x128xi32, #tpu.memory_space<hbm>> -> memref<200x128xi32, #tpu.memory_space<hbm>>
      %dma_wait3A_48 = arith.constant 0 : i32
      %dma_wait3A_49 = arith.constant 0 : i32
      %dma_wait3A_50 = tpu.memref_slice %arg2[%add3A, %dma_wait3A_48, %dma_wait3A_49] : memref<32x200x128xi32, #tpu.memory_space<hbm>> -> memref<1x200x128xi32, #tpu.memory_space<hbm>>
      %dma_wait3A_51 = tpu.memref_squeeze %dma_wait3A_50 : memref<1x200x128xi32, #tpu.memory_space<hbm>> -> memref<200x128xi32, #tpu.memory_space<hbm>>
      tpu.wait_dma2 semaphore(%run_scoped3A : memref<!tpu.dma_semaphore, #tpu.memory_space<semaphore_mem>>) src(%dma_wait3A_51 : memref<200x128xi32, #tpu.memory_space<hbm>>) dst(%arg5 : memref<200x128xi32, #tpu.memory_space<vmem>>)
      tpu.yield
    }) : () -> ()
    %scan3A = arith.constant 0 : i32
    %scan3A_3 = arith.constant 0 : i32
    %scan3A_4 = arith.constant 50 : i32
    %scan3A_5 = arith.addi %scan3A_3, %scan3A_4 : i32
    %scan3A_6 = arith.constant 1 : i32
    scf.for %scan3A_37 = %scan3A_3 to %scan3A_5 step %scan3A_6  : i32 {
      %jit3A = arith.constant 2 : i32
      %eq3A = arith.constant 0 : i32
      %eq3A_38 = arith.cmpi eq, %jit3A, %eq3A : i32
      %jit3A_39 = arith.constant 1 : i32
      %select_n3A = arith.select %eq3A_38, %jit3A_39, %jit3A : i32
      %rem3A = arith.remsi %scan3A_37, %select_n3A : i32
      %ne3A = arith.constant 0 : i32
      %ne3A_40 = arith.cmpi ne, %rem3A, %ne3A : i32
      %lt3A = arith.constant 0 : i32
      %lt3A_41 = arith.cmpi slt, %rem3A, %lt3A : i32
      %lt3A_42 = arith.constant 0 : i32
      %lt3A_43 = arith.cmpi slt, %select_n3A, %lt3A_42 : i32
      %ne3A_44 = arith.xori %lt3A_41, %lt3A_43 : i1
      %and3A = arith.andi %ne3A_44, %ne3A_40 : i1
      %add3A_45 = arith.addi %rem3A, %select_n3A : i32
      %select_n3A_46 = arith.select %and3A, %add3A_45, %rem3A : i32
      %ge3A = arith.constant 2 : i32
      %ge3A_47 = arith.cmpi sge, %scan3A_37, %ge3A : i32
      %convert_element_type3A = arith.extui %ge3A_47 : i1 to i32
      %cond3A = arith.constant 0 : i32
      %cond3A_48 = arith.cmpi ne, %convert_element_type3A, %cond3A : i32
      scf.if %cond3A_48 {
        %dma_wait3A_183 = arith.constant 0 : i32
        %dma_wait3A_184 = arith.constant 0 : i32
        %dma_wait3A_185 = arith.constant 0 : i32
        %dma_wait3A_186 = tpu.memref_slice %arg6[%dma_wait3A_183, %dma_wait3A_184, %dma_wait3A_185] : memref<2x512x64xf32, #tpu.memory_space<vmem>> -> memref<1x512x64xf32, #tpu.memory_space<vmem>>
        %dma_wait3A_187 = tpu.memref_squeeze %dma_wait3A_186 : memref<1x512x64xf32, #tpu.memory_space<vmem>> -> memref<512x64xf32, #tpu.memory_space<vmem>>
        %dma_wait3A_188 = arith.constant 0 : i32
        %dma_wait3A_189 = arith.constant 0 : i32
        %dma_wait3A_190 = tpu.memref_slice %arg4[%dma_wait3A_188, %dma_wait3A_189] : memref<819200x128xf32, #tpu.memory_space<hbm>> -> memref<512x64xf32, #tpu.memory_space<hbm>>
        %dma_wait3A_191 = arith.constant 0 : i32
        %dma_wait3A_192 = arith.constant 0 : i32
        %dma_wait3A_193 = tpu.memref_slice %arg6[%dma_wait3A_183, %dma_wait3A_191, %dma_wait3A_192] : memref<2x512x64xf32, #tpu.memory_space<vmem>> -> memref<1x512x64xf32, #tpu.memory_space<vmem>>
        %dma_wait3A_194 = tpu.memref_squeeze %dma_wait3A_193 : memref<1x512x64xf32, #tpu.memory_space<vmem>> -> memref<512x64xf32, #tpu.memory_space<vmem>>
        %dma_wait3A_195 = arith.constant 0 : i32
        %dma_wait3A_196 = arith.constant 0 : i32
        %dma_wait3A_197 = tpu.memref_slice %arg4[%dma_wait3A_195, %dma_wait3A_196] : memref<819200x128xf32, #tpu.memory_space<hbm>> -> memref<512x64xf32, #tpu.memory_space<hbm>>
        tpu.wait_dma2 semaphore(%arg8 : memref<!tpu.dma_semaphore, #tpu.memory_space<semaphore_mem>>) src(%dma_wait3A_197 : memref<512x64xf32, #tpu.memory_space<hbm>>) dst(%dma_wait3A_194 : memref<512x64xf32, #tpu.memory_space<vmem>>)
      } else {
      }
      %mul3A_49 = arith.constant 4 : i32
      %mul3A_50 = arith.muli %scan3A_37, %mul3A_49 : i32
      %add3A_51 = arith.constant 0 : i32
      %add3A_52 = arith.addi %mul3A_50, %add3A_51 : i32
      %dma_start3A = arith.constant 0 : i32
      %dma_start3A_53 = arith.constant 0 : i32
      %dma_start3A_54 = tpu.memref_slice %arg6[%select_n3A_46, %dma_start3A, %dma_start3A_53] : memref<2x512x64xf32, #tpu.memory_space<vmem>> -> memref<1x512x64xf32, #tpu.memory_space<vmem>>
      %dma_start3A_55 = tpu.memref_squeeze %dma_start3A_54 : memref<1x512x64xf32, #tpu.memory_space<vmem>> -> memref<512x64xf32, #tpu.memory_space<vmem>>
      %dma_start3A_56 = arith.constant 0 : i32
      %dma_start3A_57 = arith.constant 0 : i32
      %dma_start3A_58 = tpu.memref_slice %dma_start3A_55[%dma_start3A_56, %dma_start3A_57] : memref<512x64xf32, #tpu.memory_space<vmem>> -> memref<128x64xf32, #tpu.memory_space<vmem>>
      %dma_start3A_59 = arith.constant 0 : i32
      %dma_start3A_60 = tpu.memref_slice %arg5[%add3A_52, %dma_start3A_59] : memref<200x128xi32, #tpu.memory_space<vmem>> -> memref<1x128xi32, #tpu.memory_space<vmem>>
      %dma_start3A_61 = tpu.memref_squeeze %dma_start3A_60 : memref<1x128xi32, #tpu.memory_space<vmem>> -> memref<128xi32, #tpu.memory_space<vmem>>
      %dma_start3A_62 = arith.constant 0 : i32
      %dma_start3A_63 = arith.constant 0 : i32
      %dma_start3A_64 = tpu.memref_slice %arg3[%dma_start3A_62, %dma_start3A_63] : memref<1000000x64xf32, #tpu.memory_space<hbm>> -> memref<1000000x64xf32, #tpu.memory_space<hbm>>
      tpu.enqueue_indirect_dma source(%dma_start3A_64 : memref<1000000x64xf32, #tpu.memory_space<hbm>>) target(%dma_start3A_58 : memref<128x64xf32, #tpu.memory_space<vmem>>) offsets(%dma_start3A_61 : memref<128xi32, #tpu.memory_space<vmem>>) semaphore(%arg7 : memref<!tpu.dma_semaphore, #tpu.memory_space<semaphore_mem>>)
      %mul3A_65 = arith.constant 4 : i32
      %mul3A_66 = arith.muli %scan3A_37, %mul3A_65 : i32
      %add3A_67 = arith.constant 1 : i32
      %add3A_68 = arith.addi %mul3A_66, %add3A_67 : i32
      %dma_start3A_69 = arith.constant 0 : i32
      %dma_start3A_70 = arith.constant 0 : i32
      %dma_start3A_71 = tpu.memref_slice %arg6[%select_n3A_46, %dma_start3A_69, %dma_start3A_70] : memref<2x512x64xf32, #tpu.memory_space<vmem>> -> memref<1x512x64xf32, #tpu.memory_space<vmem>>
      %dma_start3A_72 = tpu.memref_squeeze %dma_start3A_71 : memref<1x512x64xf32, #tpu.memory_space<vmem>> -> memref<512x64xf32, #tpu.memory_space<vmem>>
      %dma_start3A_73 = arith.constant 128 : i32
      %dma_start3A_74 = arith.constant 0 : i32
      %dma_start3A_75 = tpu.memref_slice %dma_start3A_72[%dma_start3A_73, %dma_start3A_74] : memref<512x64xf32, #tpu.memory_space<vmem>> -> memref<128x64xf32, #tpu.memory_space<vmem>>
      %dma_start3A_76 = arith.constant 0 : i32
      %dma_start3A_77 = tpu.memref_slice %arg5[%add3A_68, %dma_start3A_76] : memref<200x128xi32, #tpu.memory_space<vmem>> -> memref<1x128xi32, #tpu.memory_space<vmem>>
      %dma_start3A_78 = tpu.memref_squeeze %dma_start3A_77 : memref<1x128xi32, #tpu.memory_space<vmem>> -> memref<128xi32, #tpu.memory_space<vmem>>
      %dma_start3A_79 = arith.constant 0 : i32
      %dma_start3A_80 = arith.constant 0 : i32
      %dma_start3A_81 = tpu.memref_slice %arg3[%dma_start3A_79, %dma_start3A_80] : memref<1000000x64xf32, #tpu.memory_space<hbm>> -> memref<1000000x64xf32, #tpu.memory_space<hbm>>
      tpu.enqueue_indirect_dma source(%dma_start3A_81 : memref<1000000x64xf32, #tpu.memory_space<hbm>>) target(%dma_start3A_75 : memref<128x64xf32, #tpu.memory_space<vmem>>) offsets(%dma_start3A_78 : memref<128xi32, #tpu.memory_space<vmem>>) semaphore(%arg7 : memref<!tpu.dma_semaphore, #tpu.memory_space<semaphore_mem>>)
      %mul3A_82 = arith.constant 4 : i32
      %mul3A_83 = arith.muli %scan3A_37, %mul3A_82 : i32
      %add3A_84 = arith.constant 2 : i32
      %add3A_85 = arith.addi %mul3A_83, %add3A_84 : i32
      %dma_start3A_86 = arith.constant 0 : i32
      %dma_start3A_87 = arith.constant 0 : i32
      %dma_start3A_88 = tpu.memref_slice %arg6[%select_n3A_46, %dma_start3A_86, %dma_start3A_87] : memref<2x512x64xf32, #tpu.memory_space<vmem>> -> memref<1x512x64xf32, #tpu.memory_space<vmem>>
      %dma_start3A_89 = tpu.memref_squeeze %dma_start3A_88 : memref<1x512x64xf32, #tpu.memory_space<vmem>> -> memref<512x64xf32, #tpu.memory_space<vmem>>
      %dma_start3A_90 = arith.constant 256 : i32
      %dma_start3A_91 = arith.constant 0 : i32
      %dma_start3A_92 = tpu.memref_slice %dma_start3A_89[%dma_start3A_90, %dma_start3A_91] : memref<512x64xf32, #tpu.memory_space<vmem>> -> memref<128x64xf32, #tpu.memory_space<vmem>>
      %dma_start3A_93 = arith.constant 0 : i32
      %dma_start3A_94 = tpu.memref_slice %arg5[%add3A_85, %dma_start3A_93] : memref<200x128xi32, #tpu.memory_space<vmem>> -> memref<1x128xi32, #tpu.memory_space<vmem>>
      %dma_start3A_95 = tpu.memref_squeeze %dma_start3A_94 : memref<1x128xi32, #tpu.memory_space<vmem>> -> memref<128xi32, #tpu.memory_space<vmem>>
      %dma_start3A_96 = arith.constant 0 : i32
      %dma_start3A_97 = arith.constant 0 : i32
      %dma_start3A_98 = tpu.memref_slice %arg3[%dma_start3A_96, %dma_start3A_97] : memref<1000000x64xf32, #tpu.memory_space<hbm>> -> memref<1000000x64xf32, #tpu.memory_space<hbm>>
      tpu.enqueue_indirect_dma source(%dma_start3A_98 : memref<1000000x64xf32, #tpu.memory_space<hbm>>) target(%dma_start3A_92 : memref<128x64xf32, #tpu.memory_space<vmem>>) offsets(%dma_start3A_95 : memref<128xi32, #tpu.memory_space<vmem>>) semaphore(%arg7 : memref<!tpu.dma_semaphore, #tpu.memory_space<semaphore_mem>>)
      %mul3A_99 = arith.constant 4 : i32
      %mul3A_100 = arith.muli %scan3A_37, %mul3A_99 : i32
      %add3A_101 = arith.constant 3 : i32
      %add3A_102 = arith.addi %mul3A_100, %add3A_101 : i32
      %dma_start3A_103 = arith.constant 0 : i32
      %dma_start3A_104 = arith.constant 0 : i32
      %dma_start3A_105 = tpu.memref_slice %arg6[%select_n3A_46, %dma_start3A_103, %dma_start3A_104] : memref<2x512x64xf32, #tpu.memory_space<vmem>> -> memref<1x512x64xf32, #tpu.memory_space<vmem>>
      %dma_start3A_106 = tpu.memref_squeeze %dma_start3A_105 : memref<1x512x64xf32, #tpu.memory_space<vmem>> -> memref<512x64xf32, #tpu.memory_space<vmem>>
      %dma_start3A_107 = arith.constant 384 : i32
      %dma_start3A_108 = arith.constant 0 : i32
      %dma_start3A_109 = tpu.memref_slice %dma_start3A_106[%dma_start3A_107, %dma_start3A_108] : memref<512x64xf32, #tpu.memory_space<vmem>> -> memref<128x64xf32, #tpu.memory_space<vmem>>
      %dma_start3A_110 = arith.constant 0 : i32
      %dma_start3A_111 = tpu.memref_slice %arg5[%add3A_102, %dma_start3A_110] : memref<200x128xi32, #tpu.memory_space<vmem>> -> memref<1x128xi32, #tpu.memory_space<vmem>>
      %dma_start3A_112 = tpu.memref_squeeze %dma_start3A_111 : memref<1x128xi32, #tpu.memory_space<vmem>> -> memref<128xi32, #tpu.memory_space<vmem>>
      %dma_start3A_113 = arith.constant 0 : i32
      %dma_start3A_114 = arith.constant 0 : i32
      %dma_start3A_115 = tpu.memref_slice %arg3[%dma_start3A_113, %dma_start3A_114] : memref<1000000x64xf32, #tpu.memory_space<hbm>> -> memref<1000000x64xf32, #tpu.memory_space<hbm>>
      tpu.enqueue_indirect_dma source(%dma_start3A_115 : memref<1000000x64xf32, #tpu.memory_space<hbm>>) target(%dma_start3A_109 : memref<128x64xf32, #tpu.memory_space<vmem>>) offsets(%dma_start3A_112 : memref<128xi32, #tpu.memory_space<vmem>>) semaphore(%arg7 : memref<!tpu.dma_semaphore, #tpu.memory_space<semaphore_mem>>)
      %dma_wait3A_116 = arith.constant 0 : i32
      %dma_wait3A_117 = arith.constant 0 : i32
      %dma_wait3A_118 = tpu.memref_slice %arg6[%select_n3A_46, %dma_wait3A_116, %dma_wait3A_117] : memref<2x512x64xf32, #tpu.memory_space<vmem>> -> memref<1x512x64xf32, #tpu.memory_space<vmem>>
      %dma_wait3A_119 = tpu.memref_squeeze %dma_wait3A_118 : memref<1x512x64xf32, #tpu.memory_space<vmem>> -> memref<512x64xf32, #tpu.memory_space<vmem>>
      %dma_wait3A_120 = arith.constant 0 : i32
      %dma_wait3A_121 = arith.constant 0 : i32
      %dma_wait3A_122 = tpu.memref_slice %dma_wait3A_119[%dma_wait3A_120, %dma_wait3A_121] : memref<512x64xf32, #tpu.memory_space<vmem>> -> memref<128x64xf32, #tpu.memory_space<vmem>>
      %dma_wait3A_123 = arith.constant 0 : i32
      %dma_wait3A_124 = tpu.memref_slice %arg5[%add3A_52, %dma_wait3A_123] : memref<200x128xi32, #tpu.memory_space<vmem>> -> memref<1x128xi32, #tpu.memory_space<vmem>>
      %dma_wait3A_125 = tpu.memref_squeeze %dma_wait3A_124 : memref<1x128xi32, #tpu.memory_space<vmem>> -> memref<128xi32, #tpu.memory_space<vmem>>
      %dma_wait3A_126 = arith.constant 0 : i32
      %dma_wait3A_127 = arith.constant 0 : i32
      %dma_wait3A_128 = tpu.memref_slice %arg3[%dma_wait3A_126, %dma_wait3A_127] : memref<1000000x64xf32, #tpu.memory_space<hbm>> -> memref<1000000x64xf32, #tpu.memory_space<hbm>>
      tpu.wait_indirect_dma semaphore(%arg7 : memref<!tpu.dma_semaphore, #tpu.memory_space<semaphore_mem>>) src(%dma_wait3A_128 : memref<1000000x64xf32, #tpu.memory_space<hbm>>) dst(%dma_wait3A_122 : memref<128x64xf32, #tpu.memory_space<vmem>>)
      %dma_wait3A_129 = arith.constant 0 : i32
      %dma_wait3A_130 = arith.constant 0 : i32
      %dma_wait3A_131 = tpu.memref_slice %arg6[%select_n3A_46, %dma_wait3A_129, %dma_wait3A_130] : memref<2x512x64xf32, #tpu.memory_space<vmem>> -> memref<1x512x64xf32, #tpu.memory_space<vmem>>
      %dma_wait3A_132 = tpu.memref_squeeze %dma_wait3A_131 : memref<1x512x64xf32, #tpu.memory_space<vmem>> -> memref<512x64xf32, #tpu.memory_space<vmem>>
      %dma_wait3A_133 = arith.constant 128 : i32
      %dma_wait3A_134 = arith.constant 0 : i32
      %dma_wait3A_135 = tpu.memref_slice %dma_wait3A_132[%dma_wait3A_133, %dma_wait3A_134] : memref<512x64xf32, #tpu.memory_space<vmem>> -> memref<128x64xf32, #tpu.memory_space<vmem>>
      %dma_wait3A_136 = arith.constant 0 : i32
      %dma_wait3A_137 = tpu.memref_slice %arg5[%add3A_68, %dma_wait3A_136] : memref<200x128xi32, #tpu.memory_space<vmem>> -> memref<1x128xi32, #tpu.memory_space<vmem>>
      %dma_wait3A_138 = tpu.memref_squeeze %dma_wait3A_137 : memref<1x128xi32, #tpu.memory_space<vmem>> -> memref<128xi32, #tpu.memory_space<vmem>>
      %dma_wait3A_139 = arith.constant 0 : i32
      %dma_wait3A_140 = arith.constant 0 : i32
      %dma_wait3A_141 = tpu.memref_slice %arg3[%dma_wait3A_139, %dma_wait3A_140] : memref<1000000x64xf32, #tpu.memory_space<hbm>> -> memref<1000000x64xf32, #tpu.memory_space<hbm>>
      tpu.wait_indirect_dma semaphore(%arg7 : memref<!tpu.dma_semaphore, #tpu.memory_space<semaphore_mem>>) src(%dma_wait3A_141 : memref<1000000x64xf32, #tpu.memory_space<hbm>>) dst(%dma_wait3A_135 : memref<128x64xf32, #tpu.memory_space<vmem>>)
      %dma_wait3A_142 = arith.constant 0 : i32
      %dma_wait3A_143 = arith.constant 0 : i32
      %dma_wait3A_144 = tpu.memref_slice %arg6[%select_n3A_46, %dma_wait3A_142, %dma_wait3A_143] : memref<2x512x64xf32, #tpu.memory_space<vmem>> -> memref<1x512x64xf32, #tpu.memory_space<vmem>>
      %dma_wait3A_145 = tpu.memref_squeeze %dma_wait3A_144 : memref<1x512x64xf32, #tpu.memory_space<vmem>> -> memref<512x64xf32, #tpu.memory_space<vmem>>
      %dma_wait3A_146 = arith.constant 256 : i32
      %dma_wait3A_147 = arith.constant 0 : i32
      %dma_wait3A_148 = tpu.memref_slice %dma_wait3A_145[%dma_wait3A_146, %dma_wait3A_147] : memref<512x64xf32, #tpu.memory_space<vmem>> -> memref<128x64xf32, #tpu.memory_space<vmem>>
      %dma_wait3A_149 = arith.constant 0 : i32
      %dma_wait3A_150 = tpu.memref_slice %arg5[%add3A_85, %dma_wait3A_149] : memref<200x128xi32, #tpu.memory_space<vmem>> -> memref<1x128xi32, #tpu.memory_space<vmem>>
      %dma_wait3A_151 = tpu.memref_squeeze %dma_wait3A_150 : memref<1x128xi32, #tpu.memory_space<vmem>> -> memref<128xi32, #tpu.memory_space<vmem>>
      %dma_wait3A_152 = arith.constant 0 : i32
      %dma_wait3A_153 = arith.constant 0 : i32
      %dma_wait3A_154 = tpu.memref_slice %arg3[%dma_wait3A_152, %dma_wait3A_153] : memref<1000000x64xf32, #tpu.memory_space<hbm>> -> memref<1000000x64xf32, #tpu.memory_space<hbm>>
      tpu.wait_indirect_dma semaphore(%arg7 : memref<!tpu.dma_semaphore, #tpu.memory_space<semaphore_mem>>) src(%dma_wait3A_154 : memref<1000000x64xf32, #tpu.memory_space<hbm>>) dst(%dma_wait3A_148 : memref<128x64xf32, #tpu.memory_space<vmem>>)
      %dma_wait3A_155 = arith.constant 0 : i32
      %dma_wait3A_156 = arith.constant 0 : i32
      %dma_wait3A_157 = tpu.memref_slice %arg6[%select_n3A_46, %dma_wait3A_155, %dma_wait3A_156] : memref<2x512x64xf32, #tpu.memory_space<vmem>> -> memref<1x512x64xf32, #tpu.memory_space<vmem>>
      %dma_wait3A_158 = tpu.memref_squeeze %dma_wait3A_157 : memref<1x512x64xf32, #tpu.memory_space<vmem>> -> memref<512x64xf32, #tpu.memory_space<vmem>>
      %dma_wait3A_159 = arith.constant 384 : i32
      %dma_wait3A_160 = arith.constant 0 : i32
      %dma_wait3A_161 = tpu.memref_slice %dma_wait3A_158[%dma_wait3A_159, %dma_wait3A_160] : memref<512x64xf32, #tpu.memory_space<vmem>> -> memref<128x64xf32, #tpu.memory_space<vmem>>
      %dma_wait3A_162 = arith.constant 0 : i32
      %dma_wait3A_163 = tpu.memref_slice %arg5[%add3A_102, %dma_wait3A_162] : memref<200x128xi32, #tpu.memory_space<vmem>> -> memref<1x128xi32, #tpu.memory_space<vmem>>
      %dma_wait3A_164 = tpu.memref_squeeze %dma_wait3A_163 : memref<1x128xi32, #tpu.memory_space<vmem>> -> memref<128xi32, #tpu.memory_space<vmem>>
      %dma_wait3A_165 = arith.constant 0 : i32
      %dma_wait3A_166 = arith.constant 0 : i32
      %dma_wait3A_167 = tpu.memref_slice %arg3[%dma_wait3A_165, %dma_wait3A_166] : memref<1000000x64xf32, #tpu.memory_space<hbm>> -> memref<1000000x64xf32, #tpu.memory_space<hbm>>
      tpu.wait_indirect_dma semaphore(%arg7 : memref<!tpu.dma_semaphore, #tpu.memory_space<semaphore_mem>>) src(%dma_wait3A_167 : memref<1000000x64xf32, #tpu.memory_space<hbm>>) dst(%dma_wait3A_161 : memref<128x64xf32, #tpu.memory_space<vmem>>)
      %mul3A_168 = arith.constant 512 : i32
      %mul3A_169 = arith.muli %scan3A_37, %mul3A_168 : i32
      %add3A_170 = arith.addi %mul3A_2, %mul3A_169 : i32
      %dma_start3A_171 = arith.constant 0 : i32
      %dma_start3A_172 = arith.constant 0 : i32
      %dma_start3A_173 = tpu.memref_slice %arg6[%select_n3A_46, %dma_start3A_171, %dma_start3A_172] : memref<2x512x64xf32, #tpu.memory_space<vmem>> -> memref<1x512x64xf32, #tpu.memory_space<vmem>>
      %dma_start3A_174 = tpu.memref_squeeze %dma_start3A_173 : memref<1x512x64xf32, #tpu.memory_space<vmem>> -> memref<512x64xf32, #tpu.memory_space<vmem>>
      %dma_start3A_175 = arith.constant 0 : i32
      %dma_start3A_176 = tpu.memref_slice %arg4[%add3A_170, %dma_start3A_175] : memref<819200x128xf32, #tpu.memory_space<hbm>> -> memref<512x64xf32, #tpu.memory_space<hbm>>
      %dma_start3A_177 = arith.constant 0 : i32
      %dma_start3A_178 = tpu.memref_slice %arg4[%add3A_170, %dma_start3A_177] : memref<819200x128xf32, #tpu.memory_space<hbm>> -> memref<512x64xf32, #tpu.memory_space<hbm>>
      %dma_start3A_179 = arith.constant 0 : i32
      %dma_start3A_180 = arith.constant 0 : i32
      %dma_start3A_181 = tpu.memref_slice %arg6[%select_n3A_46, %dma_start3A_179, %dma_start3A_180] : memref<2x512x64xf32, #tpu.memory_space<vmem>> -> memref<1x512x64xf32, #tpu.memory_space<vmem>>
      %dma_start3A_182 = tpu.memref_squeeze %dma_start3A_181 : memref<1x512x64xf32, #tpu.memory_space<vmem>> -> memref<512x64xf32, #tpu.memory_space<vmem>>
      tpu.enqueue_dma source(%dma_start3A_182 : memref<512x64xf32, #tpu.memory_space<vmem>>) target(%dma_start3A_178 : memref<512x64xf32, #tpu.memory_space<hbm>>) target_semaphore(%arg8 : memref<!tpu.dma_semaphore, #tpu.memory_space<semaphore_mem>>)
    }
    %scan3A_7 = arith.constant 50 : i32
    %dma_wait3A = arith.constant 0 : i32
    %dma_wait3A_8 = arith.constant 0 : i32
    %dma_wait3A_9 = arith.constant 0 : i32
    %dma_wait3A_10 = tpu.memref_slice %arg6[%dma_wait3A, %dma_wait3A_8, %dma_wait3A_9] : memref<2x512x64xf32, #tpu.memory_space<vmem>> -> memref<1x512x64xf32, #tpu.memory_space<vmem>>
    %dma_wait3A_11 = tpu.memref_squeeze %dma_wait3A_10 : memref<1x512x64xf32, #tpu.memory_space<vmem>> -> memref<512x64xf32, #tpu.memory_space<vmem>>
    %dma_wait3A_12 = arith.constant 0 : i32
    %dma_wait3A_13 = arith.constant 0 : i32
    %dma_wait3A_14 = tpu.memref_slice %arg4[%dma_wait3A_12, %dma_wait3A_13] : memref<819200x128xf32, #tpu.memory_space<hbm>> -> memref<512x64xf32, #tpu.memory_space<hbm>>
    %dma_wait3A_15 = arith.constant 0 : i32
    %dma_wait3A_16 = arith.constant 0 : i32
    %dma_wait3A_17 = tpu.memref_slice %arg6[%dma_wait3A, %dma_wait3A_15, %dma_wait3A_16] : memref<2x512x64xf32, #tpu.memory_space<vmem>> -> memref<1x512x64xf32, #tpu.memory_space<vmem>>
    %dma_wait3A_18 = tpu.memref_squeeze %dma_wait3A_17 : memref<1x512x64xf32, #tpu.memory_space<vmem>> -> memref<512x64xf32, #tpu.memory_space<vmem>>
    %dma_wait3A_19 = arith.constant 0 : i32
    %dma_wait3A_20 = arith.constant 0 : i32
    %dma_wait3A_21 = tpu.memref_slice %arg4[%dma_wait3A_19, %dma_wait3A_20] : memref<819200x128xf32, #tpu.memory_space<hbm>> -> memref<512x64xf32, #tpu.memory_space<hbm>>
    tpu.wait_dma2 semaphore(%arg8 : memref<!tpu.dma_semaphore, #tpu.memory_space<semaphore_mem>>) src(%dma_wait3A_21 : memref<512x64xf32, #tpu.memory_space<hbm>>) dst(%dma_wait3A_18 : memref<512x64xf32, #tpu.memory_space<vmem>>)
    %dma_wait3A_22 = arith.constant 0 : i32
    %dma_wait3A_23 = arith.constant 0 : i32
    %dma_wait3A_24 = arith.constant 0 : i32
    %dma_wait3A_25 = tpu.memref_slice %arg6[%dma_wait3A_22, %dma_wait3A_23, %dma_wait3A_24] : memref<2x512x64xf32, #tpu.memory_space<vmem>> -> memref<1x512x64xf32, #tpu.memory_space<vmem>>
    %dma_wait3A_26 = tpu.memref_squeeze %dma_wait3A_25 : memref<1x512x64xf32, #tpu.memory_space<vmem>> -> memref<512x64xf32, #tpu.memory_space<vmem>>
    %dma_wait3A_27 = arith.constant 0 : i32
    %dma_wait3A_28 = arith.constant 0 : i32
    %dma_wait3A_29 = tpu.memref_slice %arg4[%dma_wait3A_27, %dma_wait3A_28] : memref<819200x128xf32, #tpu.memory_space<hbm>> -> memref<512x64xf32, #tpu.memory_space<hbm>>
    %dma_wait3A_30 = arith.constant 0 : i32
    %dma_wait3A_31 = arith.constant 0 : i32
    %dma_wait3A_32 = tpu.memref_slice %arg6[%dma_wait3A_22, %dma_wait3A_30, %dma_wait3A_31] : memref<2x512x64xf32, #tpu.memory_space<vmem>> -> memref<1x512x64xf32, #tpu.memory_space<vmem>>
    %dma_wait3A_33 = tpu.memref_squeeze %dma_wait3A_32 : memref<1x512x64xf32, #tpu.memory_space<vmem>> -> memref<512x64xf32, #tpu.memory_space<vmem>>
    %dma_wait3A_34 = arith.constant 0 : i32
    %dma_wait3A_35 = arith.constant 0 : i32
    %dma_wait3A_36 = tpu.memref_slice %arg4[%dma_wait3A_34, %dma_wait3A_35] : memref<819200x128xf32, #tpu.memory_space<hbm>> -> memref<512x64xf32, #tpu.memory_space<hbm>>
    tpu.wait_dma2 semaphore(%arg8 : memref<!tpu.dma_semaphore, #tpu.memory_space<semaphore_mem>>) src(%dma_wait3A_36 : memref<512x64xf32, #tpu.memory_space<hbm>>) dst(%dma_wait3A_33 : memref<512x64xf32, #tpu.memory_space<vmem>>)
    return
  }
}

module attributes {stable_mosaic.version = 14 : i64} {
  func.func @_mm_body(%arg0: i32, %arg1: i32, %arg2: memref<16384x128xf32, #tpu.memory_space<vmem>>, %arg3: memref<64x64xf32, #tpu.memory_space<vmem>>, %arg4: memref<1x64x16384xf32, #tpu.memory_space<vmem>>) attributes {dimension_semantics = [#tpu.dimension_semantics<arbitrary>, #tpu.dimension_semantics<arbitrary>], iteration_bounds = array<i64: 50, 1>, scalar_prefetch = 0 : i64, scratch_operands = 0 : i64, tpu.core_type = #tpu.core_type<tc>, window_params = [{transform_indices = @transform_0, window_bounds = array<i64: 16384, 128>}, {pipeline_mode = #tpu.pipeline_mode<synchronous>, transform_indices = @transform_1, window_bounds = array<i64: 64, 64>}, {transform_indices = @transform_2, window_bounds = array<i64: 1, 64, 16384>}]} {
    %get3A = arith.constant 0 : index
    %get3A_0 = arith.constant 0 : index
    %get3A_1 = vector.load %arg2[%get3A, %get3A_0] : memref<16384x128xf32, #tpu.memory_space<vmem>>, vector<16384x64xf32>
    %get3A_2 = arith.constant 0 : index
    %get3A_3 = arith.constant 0 : index
    %get3A_4 = vector.load %arg3[%get3A_2, %get3A_3] : memref<64x64xf32, #tpu.memory_space<vmem>>, vector<64x64xf32>
    %dot_general3A = arith.constant dense<0.000000e+00> : vector<64x16384xf32>
    %dot_general3A_5 = tpu.matmul %get3A_4, %get3A_1, %dot_general3A {dimension_numbers = #tpu.dot_dimension_numbers<[1], [1], [0], [0], [0, 0, 1, 0], [], []>, transpose_lhs_hint = false} : vector<64x64xf32>, vector<16384x64xf32>, vector<64x16384xf32> -> vector<64x16384xf32>
    %reshape3A = vector.shape_cast %dot_general3A_5 : vector<64x16384xf32> to vector<1x64x16384xf32>
    %swap3A = arith.constant 0 : index
    %swap3A_6 = arith.constant 0 : index
    %swap3A_7 = arith.constant 0 : index
    %swap3A_8 = vector.load %arg4[%swap3A, %swap3A_6, %swap3A_7] : memref<1x64x16384xf32, #tpu.memory_space<vmem>>, vector<1x64x16384xf32>
    tpu.vector_store %arg4[%swap3A, %swap3A_6, %swap3A_7], %reshape3A {strides = array<i32>} : memref<1x64x16384xf32, #tpu.memory_space<vmem>>, vector<1x64x16384xf32>,
    return
  }
  func.func @transform_0(%arg0: i32, %arg1: i32) -> (i32, i32) {
    %mul3A = arith.constant 1 : i32
    %mul3A_0 = arith.muli %arg0, %mul3A : i32
    %add3A = arith.addi %mul3A_0, %arg1 : i32
    %c0_i32 = arith.constant 0 : i32
    %c0_i32_1 = arith.constant 0 : i32
    return %add3A, %c0_i32 : i32, i32
  }
  func.func @transform_1(%arg0: i32, %arg1: i32) -> (i32, i32) {
    %c0_i32 = arith.constant 0 : i32
    %c0_i32_0 = arith.constant 0 : i32
    %c0_i32_1 = arith.constant 0 : i32
    return %c0_i32, %c0_i32_0 : i32, i32
  }
  func.func @transform_2(%arg0: i32, %arg1: i32) -> (i32, i32, i32) {
    %c0_i32 = arith.constant 0 : i32
    %c0_i32_0 = arith.constant 0 : i32
    return %arg0, %c0_i32, %arg1 : i32, i32, i32
  }
}

</mosaic_0001>

<sc_bundles>
// kernel: kernel.4.cloned.1.call-start
scs
__scs_entry_jumppad:
0x0: {  	(pc) =	sbr.rel $0x88, $3  }
0x1: {  	(tag) =	ssettag $0x0;
	lr =	simm.s32 $0x1  }
0x2: {  	[smem:$0x3F9E] =	sst lr;
	_ =	strace $0xD0000000  }
0x3: {  	_ = 	snop  }
0x4: {  	_ = 	snop  }
0x5: {  	_ = 	snop  }
0x6: {  	_ = 	snop  }
0x7: {  	_ = 	snop  }
__scs_overlays_trampoline_lowered:
0x8: {  	[smem:$0x3FAD] =	sst s0  }
0x9: {  	[smem:$0x3FAE] =	sst s1  }
0xa: {  	[smem:$0x3FAF] =	sst s2  }
0xb: {  	[smem:$0x3FB0] =	sst s3  }
0xc: {  	[smem:$0x3FB1] =	sst s4  }
0xd: {  	[smem:$0x3FB2] =	sst s5  }
0xe: {  	[smem:$0x3FB3] =	sst s6  }
0xf: {  	[smem:$0x3FB4] =	sst s7  }
0x10: {  	[smem:$0x3FB5] =	sst s8  }
0x11: {  	[smem:$0x3FB6] =	sst s9;
	s0 =	simm.s32 @!p0 $0x0  }
0x12: {  	s1 =	sld [smem:$0x3F9C];
	s0 =	simm.s32 @p0 $0x1  }
0x13: {  	[smem:$0x3FB7] =	sst s0;
	s0 =	simm.s32 @!p1 $0x0  }
0x14: {  	s2 =	sld [smem:$0x3F9B];
	s0 =	simm.s32 @p1 $0x1  }
0x15: {  	[smem:$0x3FB8] =	sst s0;
	s0 =	simm.s32 @!p2 $0x0  }
0x16: {  	s3 =	sld [smem:$0x3FDB];
	s0 =	simm.s32 @p2 $0x1  }
0x17: {  	s4 =	simm.s32 $0x1BF5;
	[smem:$0x3FBA] =	sst s0  }
0x18: {  	s0 =	sld [smem:$0x3F9D];
	_ =	swait.ge [sflag:s4], $0x0  }
0x19: {  	s7 =	sld [smem:$0x3F9E]  }
0x1a: {  	s8 =	sadd.s32 $0xFFFFE003, lr  }
0x1b: {  	s9 =	sadd.s32 $0xFFFFFEF7, lr;
	s5 =	simm.s32 $0xFFFFFFFF;
	p2 =	slt.u32 s8, $0xFFFFF086  }
0x1c: {  	p1 =	slt.u32 s9, $0xF7A;
	s5 =	simm.s32 @!p2 $0x0  }
0x1d: {  	s5 =	simm.s32 @p1 $0x1;
	p0 =	seq.s32 s7, s2  }
0x1e: {  	s7 =	smul.u32 @!p0 $0xF7A, s2;
	p2 =	seq.s32 @!p0 s5, $0x0  }
0x1f: {  	s9 =	smul.u32 $0xF7A, s1;
	s8 =	simm.s32 @!p0 $0x1BF5;
	p2 =	por !p2, p0  }
0x20: {  	[sflag:s8] =	ssyncset.s32 @!p0 $0xFFFFF086;
	s6 =	sadd.s32 @!p0 s3, s7;
	s7 =	simm.s32 @!p0 $0x108  }
0x21: {  	s3 =	sadd.s32 s3, s9;
	s6 =	sadd.s32 @!p0 $0x88, s6;
	s7 =	simm.s32 @p2 $0x1082  }
0x22: {  	[simem:s7], [sflag:s8] =	dma.local @!p0 [hbm:s6], $0xF7A  }
0x23: {  	s9 =	sor.u32 $0xD0000000, s2;
	s6 =	simm.s32 $0x108;
	_ =	swait.ge @!p0 [sflag:s8], $0x0  }
0x24: {  	s3 =	sadd.s32 $0x88, s3;
	s6 =	simm.s32 @!p1 $0x1082;
	[sflag:s4] =	ssyncset.s32 $0xFFFFF086  }
0x25: {  	[simem:s6], [sflag:s4] =	dma.local [hbm:s3], $0xF7A  }
0x26: {  	[smem:$0x3F9E] =	sst s1;
	(tag) =	ssettag s2;
	_ =	strace s9  }
0x27: {  	s1 =	sld [smem:$0x3FAE]  }
0x28: {  	s2 =	sld [smem:$0x3FAF]  }
0x29: {  	s4 =	sld [smem:$0x3FB1]  }
0x2a: {  	p0 =	seq.s32 s5, $0x0;
	s5 =	sld [smem:$0x3FB2]  }
0x2b: {  	s6 =	sld [smem:$0x3FB3]  }
0x2c: {  	s7 =	sld [smem:$0x3FB4]  }
0x2d: {  	s3 =	simm.s32 $0x108;
	s8 =	sld [smem:$0x3FB5]  }
0x2e: {  	s3 =	simm.s32 @!p0 $0x1082;
	s9 =	sld [smem:$0x3FB6]  }
0x2f: {  	lr =	sadd.s32 s0, s3;
	s0 =	sld [smem:$0x3FAD]  }
0x30: {  	s3 =	sld [smem:$0x3FB0]  }
0x31: {  	[smem:$0x3FB9] =	sst s10  }
0x32: {  	s10 =	sld [smem:$0x3FB7];
	_ =	sdelay $0x3  }
0x33: {  	p0 =	seq.s32 s10, $0x1;
	s10 =	sld [smem:$0x3FB9];
	_ =	sdelay $0x3  }
0x34: {  	[smem:$0x3FB9] =	sst s10  }
0x35: {  	s10 =	sld [smem:$0x3FB8];
	_ =	sdelay $0x3  }
0x36: {  	p1 =	seq.s32 s10, $0x1;
	s10 =	sld [smem:$0x3FB9];
	_ =	sdelay $0x3  }
0x37: {  	[smem:$0x3FB9] =	sst s10  }
0x38: {  	s10 =	sld [smem:$0x3FBA]  }
0x39: {  	_ = 	snop;
	(pc) =	sbr.ind lr, $3  }
0x3a: {  	_ = 	snop  }
0x3b: {  	_ = 	snop  }
0x3c: {  	p2 =	seq.s32 s10, $0x1;
	s10 =	sld [smem:$0x3FB9]  }
0x3d: {  	_ =	shalt  }
0x3e: {  	_ =	shalt  }
0x3f: {  	_ =	shalt  }
0x40: {  	_ =	shalt  }
0x41: {  	_ =	shalt  }
0x42: {  	_ =	shalt  }
0x43: {  	_ =	shalt  }
0x44: {  	_ =	shalt  }
0x45: {  	_ =	shalt  }
0x46: {  	_ =	shalt  }
0x47: {  	_ =	shalt  }
0x48: {  	_ =	shalt  }
0x49: {  	_ =	shalt  }
0x4a: {  	_ =	shalt  }
0x4b: {  	_ =	shalt  }
0x4c: {  	_ =	shalt  }
0x4d: {  	_ =	shalt  }
0x4e: {  	_ =	shalt  }
0x4f: {  	_ =	shalt  }
0x50: {  	_ =	shalt  }
0x51: {  	_ =	shalt  }
0x52: {  	_ =	shalt  }
0x53: {  	_ =	shalt  }
0x54: {  	_ =	shalt  }
0x55: {  	_ =	shalt  }
0x56: {  	_ =	shalt  }
0x57: {  	_ =	shalt  }
0x58: {  	_ =	shalt  }
0x59: {  	_ =	shalt  }
0x5a: {  	_ =	shalt  }
0x5b: {  	_ =	shalt  }
0x5c: {  	_ =	shalt  }
0x5d: {  	_ =	shalt  }
0x5e: {  	_ =	shalt  }
0x5f: {  	_ =	shalt  }
0x60: {  	_ =	shalt  }
0x61: {  	_ =	shalt  }
0x62: {  	_ =	shalt  }
0x63: {  	_ =	shalt  }
0x64: {  	_ =	shalt  }
0x65: {  	_ =	shalt  }
0x66: {  	_ =	shalt  }
0x67: {  	_ =	shalt  }
0x68: {  	_ =	shalt  }
0x69: {  	_ =	shalt  }
0x6a: {  	_ =	shalt  }
0x6b: {  	_ =	shalt  }
0x6c: {  	_ =	shalt  }
0x6d: {  	_ =	shalt  }
0x6e: {  	_ =	shalt  }
0x6f: {  	_ =	shalt  }
0x70: {  	_ =	shalt  }
0x71: {  	_ =	shalt  }
0x72: {  	_ =	shalt  }
0x73: {  	_ =	shalt  }
0x74: {  	_ =	shalt  }
0x75: {  	_ =	shalt  }
0x76: {  	_ =	shalt  }
0x77: {  	_ =	shalt  }
0x78: {  	_ =	shalt  }
0x79: {  	_ =	shalt  }
0x7a: {  	_ =	shalt  }
0x7b: {  	_ =	shalt  }
0x7c: {  	_ =	shalt  }
0x7d: {  	_ =	shalt  }
0x7e: {  	_ =	shalt  }
0x7f: {  	_ =	shalt  }
0x80: {  	_ =	shalt  }
0x81: {  	_ =	shalt  }
0x82: {  	_ =	shalt  }
0x83: {  	_ =	shalt  }
0x84: {  	_ =	shalt  }
0x85: {  	_ =	shalt  }
0x86: {  	_ =	shalt  }
0x87: {  	_ =	shalt  }
.Lfunc_end0:
.L_simem_size_0:
called_computation_lowered:
.L_overlay_start_0:
0x88: {  	s2 =	sld [smem:$0x3FD9]  }
0x89: {  	s3 =	sld [smem:$0x3FFE];
	_ =	sdelay $0x1  }
0x8a: {  	s1 =	srdreg.scid  }
0x8b: {  	s0 =	sand.u32 $0x1, s1  }
0x8c: {  	s17 =	sshll.u32 s0, $0xA;
	s2 =	sadd.s32 s3, s2  }
0x8d: {  	s2 =	sadd.s32 s2, s17  }
0x8e: {  	[smem:$0x3FC5] =	sst s2  }
0x8f: {  	_ = 	snop  }
0x90: {  	s2 =	sld [smem:$0x3FD0];
	(tm) =	ssettm $0x1  }
0x91: {  	s18 =	sld [smem:$0x3FFB];
	_ =	sdelay $0x3  }
0x92: {  	_ =	strace s18  }
0x93: {  	s3 =	sld [smem:$0x3FFC];
	_ =	sdelay $0x3  }
0x94: {  	_ =	strace s3  }
0x95: {  	s3 =	sld [smem:$0x3FFD];
	_ =	sdelay $0x3  }
0x96: {  	_ =	strace s3  }
0x97: {  	_ =	strace $0x8FFFFFFF  }
0x98: {  	s19 =	sld [smem:$0x3FDB];
	_ =	sdelay $0x1  }
0x99: {  	s4 =	simm.s32 $_scs_section_size  }
0x9a: {  	s5 =	simm.s32 $_size__tile_overlayer_lowered;
	s6 =	simm.s32 $_tile_overlayer_lowered  }
0x9b: {  	s22 =	simm.s32 $0x1BFF;
	s21 =	sshll.u32 s6, $0x1;
	s3 =	sadd.s32 s4, s19  }
0x9c: {  	s7 =	simm.s32 $0x0;
	s20 =	sshll.u32 s5, $0x1;
	s5 =	sadd.s32 s21, s3  }
0x9d: {  	[timem:s7], [sflag:s22] =	dma.local [hbm:s5], s20  }
0x9e: {  	_ =	swait.ge [sflag:s22], s20  }
0x9f: {  	s4 =	ssub.s32 $0x0, s20;
	[sflag:s22] =	ssyncset.done $0x0  }
0xa0: {  	[sflag:s22] =	ssyncadd.s32 s4;
	_ =	sdelay $0x1  }
0xa1: {  	s23 =	simm.s32 $0x1B8B  }
0xa2: {  	_ =	swait.ge [sflag:s23], $0x1  }
0xa3: {  	[sflag:s23] =	ssyncset.done $0x0  }
0xa4: {  	s25 =	simm.s32 $0x1B8E;
	s24 =	sld [smem:$0x3FFE];
	[sflag:s23] =	ssyncadd.s32 $0xFFFFFFFF  }
0xa5: {  	s26 =	simm.s32 $execute0_lowered;
	[smem:$0x3FD2] =	sst s25  }
0xa6: {  	s5 =	sshll.u32 s26, $0x1;
	_ =	strace $0x80000046;
	[dreg:$0x1] =	wrdreg $0xFFFFFFFF  }
0xa7: {  	s28 =	simm.s32 $_size_execute0_lowered;
	s3 =	sadd.s32 s3, s5;
	[dreg:$0x0] =	wrdreg $0x0  }
0xa8: {  	s5 =	sshll.u32 s28, $0x1;
	[dreg:$0x2] =	wrdreg s3  }
0xa9: {  	[dreg:$0x3] =	wrdreg s5  }
0xaa: {  	[dreg:$0x4] =	wrdreg $0xC0  }
0xab: {  	_ =	task [dreg:s7], $0x5FFFF  }
0xac: {  	[dreg:$0x1] =	wrdreg $0xFFFFFFFF  }
0xad: {  	[dreg:$0x0] =	wrdreg $0x60  }
0xae: {  	[dreg:$0x2] =	wrdreg s2  }
0xaf: {  	[dreg:$0x3] =	wrdreg s24  }
0xb0: {  	[dreg:$0x4] =	wrdreg $0x9  }
0xb1: {  	_ =	task.clear_ibuf [dreg:s7], $0x5FFFF;
	_ =	strace $0x90000046  }
0xb2: {  	s29 =	simm.s32 $0x9;
	_ =	strace $0x80000048  }
0xb3: {  	_ =	swait.ge [sflag:s29], $0x1  }
0xb4: {  	[sflag:s29] =	ssyncadd.s32 $0xFFFFFFFF  }
0xb5: {  	_ =	strace $0x90000048  }
0xb6: {  	_ =	sfence  }
0xb7: {  	s30 =	sld [smem:$0x0];
	_ =	sdelay $0x2  }
0xb8: {  	s31 =	sshll.u32 s1, $0xD;
	s1 =	sshrl.u32 s1, $0x2  }
0xb9: {  	s3 =	sand.u32 $0x4000, s31;
	s1 =	sadd.s32 s1, s30  }
0xba: {  	s0 =	sor.u32 s3, s0;
	s1 =	sshll.u32 s1, $0x11  }
0xbb: {  	s0 =	sor.u32 s1, s0  }
0xbc: {  	s0 =	sadd.s32 $0x8F2B, s0  }
0xbd: {  	[sflag:s0] =	ssyncadd.remote.s32 $0x1  }
0xbe: {  	_ =	sfence.sel $0xFFFF  }
0xbf: {  	[dreg:$0x0] =	wrdreg $0xFFFFFFFF;
	(pc) =	sbr.abs _section_cstart, $3  }
0xc0: {  	[dreg:$0x1] =	wrdreg $0xFFFFFFFF  }
0xc1: {  	_ =	task.clear_ibuf [dreg:s7], $0x2FFFF;
	_ =	strace $0x9FFFFFFF  }
0xc2: {  	(tm) =	ssettm $0x7FFFFFFF  }
0xc3: {  	_ =	shalt  }
tec
execute0_lowered:
.L_overlay_start_1:
0x0: {  	(tag) =	ssettag $0x1  }
0x1: {  	s0 =	rddreg [dreg:$0x0];
	s1 =	srdreg.scid  }
0x2: {  	s7 =	stileid.u32;
	s4 =	rddreg [dreg:$0x1]  }
0x3: {  	s2 =	simm.s32 $0x0;
	s10 =	simm.s32 $0x80;
	s11 =	simm.s32 $0x6400  }
0x4: {  	s17 =	simm.s32 $0x1;
	s18 =	simm.s32 $0x40;
	s19 =	simm.s32 $0x200  }
0x5: {  	s20 =	simm.s32 $0xE400;
	s21 =	simm.s32 $0x280;
	s22 =	simm.s32 $0x10400  }
0x6: {  	s23 =	simm.s32 $0x300;
	s24 =	simm.s32 $0x12400;
	s25 =	simm.s32 $0x380  }
0x7: {  	s26 =	simm.s32 $0x14400;
	s28 =	simm.s32 $0x2;
	s29 =	simm.s32 $0x0  }
0x8: {  	s1 =	sand.u32 $0x1, s1;
	s3 =	sshll.u32 s7, $0x1;
	s7 =	smul.u32 $0x640000, s7  }
0x9: {  	s5 =	sor.u32 s1, s3;
	s8 =	ssub.s32 $0x2, s1;
	s1 =	smul.u32 $0x320000, s1  }
0xa: {  	[smem:$0x7FF] =	sst s2;
	s9 =	sadd.s32 $0x800, s4;
	s6 =	smul.u32 $0x320000, s5  }
0xb: {  	_ =	strace $0x80000047;
	s30 =	sshrl.u32 s8, $0x1;
	s5 =	smul.u32 $0xC80, s5  }
0xc: {  	s3 =	sadd.s32 $0xF42C00, s4;
	s8 =	ssub.s32 s8, s30;
	s1 =	sadd.s32 s1, s7  }
0xd: {  	s6 =	sshrl.u32 s6, $0x3;
	s4 =	sadd.s32 s0, s5;
	s31 =	sadd.s32 $0x20000, s1  }
0xe: {  	s5 =	sadd.s32 s9, s6;
	s6 =	smax.u32 s8, $0x1;
	s0 =	sshrl.u32 s31, $0x3  }
0xf: {  	s7 =	sadd.s32 $0x2000, s5;
	s12 =	sadd.s32 s0, s9;
	s9 =	simm.s32 $0x3  }
.LBB2_1:
0x10: {  	[tilespmem:s2], [sflag:$0x3] =	stream.linear.gather [hbm4b:s4+s2], $0x6400, $0x38;
	[tilespmem:$0x16400] =	vst v63  }
0x11: {  	_ =	swait.ge [sflag:s9], $0x6400  }
0x12: {  	[sflag:s9] =	ssyncset.done $0x0  }
0x13: {  	[sflag:s9] =	ssyncadd.s32 $0xFFFF9C00  }
0x14: {  	[tilespmem:s11], [sflag:$0x1] =	stream.indirect.gather [hbm4b:s3+s10], $0x40, s2, s10, $0xb8;
	[tilespmem:$0x16400] =	vst v63  }
0x15: {  	s0 =	simm.s32 $0x8400  }
0x16: {  	[tilespmem:s0], [sflag:$0x1] =	stream.indirect.gather [hbm4b:s3+s10], $0x40, s10, s10, $0xb8;
	[tilespmem:$0x16400] =	vst v63  }
0x17: {  	s14 =	simm.s32 $0x100;
	s1 =	simm.s32 $0xA400  }
0x18: {  	[tilespmem:s1], [sflag:$0x1] =	stream.indirect.gather [hbm4b:s3+s10], $0x40, s14, s10, $0xb8;
	[tilespmem:$0x16400] =	vst v63  }
0x19: {  	s15 =	simm.s32 $0x180;
	s16 =	simm.s32 $0xC400  }
0x1a: {  	[tilespmem:s16], [sflag:$0x1] =	stream.indirect.gather [hbm4b:s3+s10], $0x40, s15, s10, $0xb8;
	[tilespmem:$0x16400] =	vst v63  }
0x1b: {  	_ =	swait.ge [sflag:s17], $0x2000  }
0x1c: {  	[sflag:s17] =	ssyncset.done $0x0  }
0x1d: {  	[sflag:s17] =	ssyncadd.s32 $0xFFFFE000  }
0x1e: {  	_ =	swait.ge [sflag:s17], $0x2000  }
0x1f: {  	[sflag:s17] =	ssyncset.done $0x0  }
0x20: {  	[sflag:s17] =	ssyncadd.s32 $0xFFFFE000  }
0x21: {  	_ =	swait.ge [sflag:s17], $0x2000  }
0x22: {  	[sflag:s17] =	ssyncset.done $0x0  }
0x23: {  	[sflag:s17] =	ssyncadd.s32 $0xFFFFE000  }
0x24: {  	_ =	swait.ge [sflag:s17], $0x2000  }
0x25: {  	[sflag:s17] =	ssyncset.done $0x0  }
0x26: {  	[sflag:s17] =	ssyncadd.s32 $0xFFFFE000  }
0x27: {  	[hbm4b:s5+s18] =	stream.strided.scatter [tilespmem:s11], [sflag:$0x2], $0x8000, s10, s18, $0x38;
	[tilespmem:$0x16400] =	vst v63  }
0x28: {  	_ = 	snop  }
0x29: {  	[tilespmem:s20], [sflag:$0x1] =	stream.indirect.gather [hbm4b:s3+s10], $0x40, s19, s10, $0xb8;
	[tilespmem:$0x16400] =	vst v63  }
0x2a: {  	_ = 	snop  }
0x2b: {  	[tilespmem:s22], [sflag:$0x1] =	stream.indirect.gather [hbm4b:s3+s10], $0x40, s21, s10, $0xb8;
	[tilespmem:$0x16400] =	vst v63  }
0x2c: {  	_ = 	snop  }
0x2d: {  	[tilespmem:s24], [sflag:$0x1] =	stream.indirect.gather [hbm4b:s3+s10], $0x40, s23, s10, $0xb8;
	[tilespmem:$0x16400] =	vst v63  }
0x2e: {  	_ = 	snop  }
0x2f: {  	[tilespmem:s26], [sflag:$0x1] =	stream.indirect.gather [hbm4b:s3+s10], $0x40, s25, s10, $0xb8;
	[tilespmem:$0x16400] =	vst v63  }
0x30: {  	_ =	swait.ge [sflag:s17], $0x2000  }
0x31: {  	[sflag:s17] =	ssyncset.done $0x0  }
0x32: {  	[sflag:s17] =	ssyncadd.s32 $0xFFFFE000  }
0x33: {  	_ =	swait.ge [sflag:s17], $0x2000  }
0x34: {  	[sflag:s17] =	ssyncset.done $0x0  }
0x35: {  	[sflag:s17] =	ssyncadd.s32 $0xFFFFE000  }
0x36: {  	_ =	swait.ge [sflag:s17], $0x2000  }
0x37: {  	[sflag:s17] =	ssyncset.done $0x0  }
0x38: {  	[sflag:s17] =	ssyncadd.s32 $0xFFFFE000  }
0x39: {  	_ =	swait.ge [sflag:s17], $0x2000  }
0x3a: {  	[sflag:s17] =	ssyncset.done $0x0  }
0x3b: {  	[sflag:s17] =	ssyncadd.s32 $0xFFFFE000  }
0x3c: {  	[hbm4b:s7+s18] =	stream.strided.scatter [tilespmem:s20], [sflag:$0x2], $0x8000, s10, s18, $0x38;
	[tilespmem:$0x16400] =	vst v63  }
0x3d: {  	s1 =	simm.s32 $0x10000;
	_ =	swait.ge [sflag:s28], $0x8000  }
0x3e: {  	s0 =	sand.u32 $0x8000, s1;
	[sflag:s28] =	ssyncset.done $0x0  }
0x3f: {  	s8 =	simm.s32 $0x400;
	s30 =	sor.u32 $0x6400, s0;
	[sflag:s28] =	ssyncadd.s32 $0xFFFF8000  }
0x40: {  	[tilespmem:s30], [sflag:$0x1] =	stream.indirect.gather [hbm4b:s3+s10], $0x40, s8, s10, $0xb8;
	[tilespmem:$0x16400] =	vst v63  }
0x41: {  	s13 =	sadd.s32 $0x8400, s0;
	s8 =	simm.s32 $0x480  }
0x42: {  	[tilespmem:s13], [sflag:$0x1] =	stream.indirect.gather [hbm4b:s3+s10], $0x40, s8, s10, $0xb8;
	[tilespmem:$0x16400] =	vst v63  }
0x43: {  	s14 =	sadd.s32 $0xA400, s0;
	s15 =	simm.s32 $0x500  }
0x44: {  	[tilespmem:s14], [sflag:$0x1] =	stream.indirect.gather [hbm4b:s3+s10], $0x40, s15, s10, $0xb8;
	[tilespmem:$0x16400] =	vst v63  }
0x45: {  	s0 =	sadd.s32 $0xC400, s0;
	s16 =	simm.s32 $0x580  }
0x46: {  	[tilespmem:s0], [sflag:$0x1] =	stream.indirect.gather [hbm4b:s3+s10], $0x40, s16, s10, $0xb8;
	[tilespmem:$0x16400] =	vst v63  }
0x47: {  	_ =	swait.ge [sflag:s17], $0x2000  }
0x48: {  	[sflag:s17] =	ssyncset.done $0x0  }
0x49: {  	[sflag:s17] =	ssyncadd.s32 $0xFFFFE000  }
0x4a: {  	_ =	swait.ge [sflag:s17], $0x2000  }
0x4b: {  	[sflag:s17] =	ssyncset.done $0x0  }
0x4c: {  	[sflag:s17] =	ssyncadd.s32 $0xFFFFE000  }
0x4d: {  	_ =	swait.ge [sflag:s17], $0x2000  }
0x4e: {  	[sflag:s17] =	ssyncset.done $0x0  }
0x4f: {  	[sflag:s17] =	ssyncadd.s32 $0xFFFFE000  }
0x50: {  	_ =	swait.ge [sflag:s17], $0x2000  }
0x51: {  	s31 =	simm.s32 $0x800;
	s1 =	sadd.s32 $0x2000, s12;
	[sflag:s17] =	ssyncset.done $0x0  }
0x52: {  	s8 =	smov.u32 s12;
	s0 =	simm.s32 $0x18000;
	[sflag:s17] =	ssyncadd.s32 $0xFFFFE000  }
.LBB2_2:
0x53: {  	[hbm4b:s8+s18] =	stream.strided.scatter [tilespmem:s30], [sflag:$0x2], $0x8000, s10, s18, $0x38;
	[tilespmem:$0x16400] =	vst v63  }
0x54: {  	s30 =	smov.u32 s31;
	s8 =	smov.u32 s1  }
0x55: {  	p0 =	sne.s32 s31, $0x17800;
	s31 =	sadd.s32 $0x800, s31;
	_ =	swait.ge [sflag:s28], $0x8000  }
0x56: {  	s13 =	sand.u32 $0x8000, s0;
	s14 =	sshra.s32 s30, $0x2;
	[sflag:s28] =	ssyncset.done $0x0  }
0x57: {  	s30 =	sor.u32 $0x6400, s13;
	s15 =	sadd.s32 $0x400, s14;
	[sflag:s28] =	ssyncadd.s32 $0xFFFF8000  }
0x58: {  	[tilespmem:s30], [sflag:$0x1] =	stream.indirect.gather [hbm4b:s3+s10], $0x40, s15, s10, $0xb8;
	[tilespmem:$0x16400] =	vst v63  }
0x59: {  	s16 =	sadd.s32 $0x480, s14;
	s15 =	sadd.s32 $0x8400, s13  }
0x5a: {  	[tilespmem:s15], [sflag:$0x1] =	stream.indirect.gather [hbm4b:s3+s10], $0x40, s16, s10, $0xb8;
	[tilespmem:$0x16400] =	vst v63  }
0x5b: {  	s15 =	sadd.s32 $0xA400, s13;
	s16 =	sadd.s32 $0x500, s14  }
0x5c: {  	[tilespmem:s15], [sflag:$0x1] =	stream.indirect.gather [hbm4b:s3+s10], $0x40, s16, s10, $0xb8;
	[tilespmem:$0x16400] =	vst v63  }
0x5d: {  	s13 =	sadd.s32 $0xC400, s13;
	s14 =	sadd.s32 $0x580, s14  }
0x5e: {  	[tilespmem:s13], [sflag:$0x1] =	stream.indirect.gather [hbm4b:s3+s10], $0x40, s14, s10, $0xb8;
	[tilespmem:$0x16400] =	vst v63  }
0x5f: {  	_ =	swait.ge [sflag:s17], $0x2000  }
0x60: {  	[sflag:s17] =	ssyncset.done $0x0  }
0x61: {  	[sflag:s17] =	ssyncadd.s32 $0xFFFFE000  }
0x62: {  	_ =	swait.ge [sflag:s17], $0x2000  }
0x63: {  	[sflag:s17] =	ssyncset.done $0x0  }
0x64: {  	[sflag:s17] =	ssyncadd.s32 $0xFFFFE000  }
0x65: {  	_ =	swait.ge [sflag:s17], $0x2000  }
.Ltmp0:
0x66: {  	[sflag:s17] =	ssyncset.done $0x0;
	(pc) =	sbr.rel @p0 .LBB2_2-.Ltmp0, $4  }
0x67: {  	[sflag:s17] =	ssyncadd.s32 $0xFFFFE000  }
0x68: {  	_ =	swait.ge [sflag:s17], $0x2000  }
0x69: {  	[sflag:s17] =	ssyncset.done $0x0  }
0x6a: {  	s1 =	sadd.s32 $0x2000, s1;
	s0 =	sadd.s32 $0x8000, s0;
	[sflag:s17] =	ssyncadd.s32 $0xFFFFE000  }
0x6b: {  	[hbm4b:s8+s18] =	stream.strided.scatter [tilespmem:s30], [sflag:$0x2], $0x8000, s10, s18, $0x38;
	[tilespmem:$0x16400] =	vst v63  }
0x6c: {  	s29 =	sadd.s32 $0x1, s29  }
0x6d: {  	_ =	swait.ge [sflag:s28], $0x8000;
	p0 =	sne.s32 s29, s6  }
.Ltmp1:
0x6e: {  	[sflag:s28] =	ssyncset.done $0x0;
	(pc) =	sbr.rel @p0 .LBB2_1-.Ltmp1, $4  }
0x6f: {  	[sflag:s28] =	ssyncadd.s32 $0xFFFF8000  }
0x70: {  	_ =	swait.ge [sflag:s28], $0x8000  }
0x71: {  	[sflag:s28] =	ssyncset.done $0x0  }
0x72: {  	[sflag:s28] =	ssyncadd.s32 $0xFFFF8000  }
0x73: {  	_ =	sfence.sel $0x180000  }
0x74: {  	[bflag:$0x0] =	sbarrier.arrive $0xFFFF  }
0x75: {  	_ =	strace $0x90000047  }
0x76: {  	s0 =	stileid.u32;
	[bflag:$0x2] =	sbarrier.arrive $0xFFFF  }
0x77: {  	p0 =	sne.s32 s0, $0x0;
	s0 =	rddreg [dreg:$0x2]  }
0x78: {  	s0 =	sadd.s32 @!p0 $0x100000, s0  }
0x79: {  	[sflag:s0] =	ssyncadd.tile.s32 @!p0 $0x1;
	_ =	shalt  }
.Lfunc_end2:
_tile_overlayer_lowered:
.L_overlay_start_2:
0x7a: {  	(tag) =	ssettag $0x2  }
0x7b: {  	s0 =	rddreg [dreg:$0x0];
	s2 =	stileid.u32  }
0x7c: {  	s1 =	rddreg [dreg:$0x1];
	p0 =	sne.s32 s2, $0x0  }
0x7d: {  	s3 =	rddreg [dreg:$0x2];
	[bflag:$0x3] =	sbarrier.arrive $0xFFFF;
	s2 =	simm.s32 @!p0 $0x1C03  }
0x7e: {  	[timem:s3], [sflag:s2] =	dma.local @!p0 [hbm:s0], s1  }
0x7f: {  	s0 =	simm.s32 @!p0 $0x3  }
0x80: {  	_ =	swait.ge @!p0 [sflag:s0], s1  }
0x81: {  	s1 =	ssub.s32 @!p0 $0x0, s1;
	[sflag:s0] =	ssyncset.done @!p0 $0x0  }
0x82: {  	[sflag:s0] =	ssyncadd.s32 @!p0 s1  }
0x83: {  	[bflag:$0x3] =	sbarrier.arrive $0xFFFF  }
0x84: {  	_ =	shalt  }

</sc_bundles>
